<compile_context>
chip_gen: v7x
topology: tpu7x:2x2x1
jax: 0.10.2.dev20260603
libtpu: 0.0.44.dev20260713+nightly
codegen_flags: <defaults>
</compile_context>

<pallas_src>
import functools

import jax
import jax.numpy as jnp
from jax import lax
from jax.experimental import pallas as pl
from jax.experimental.pallas import tpu as pltpu
from jax.experimental.pallas import tpu_sc as plsc

_B, _S, _D = 2, 8192, 2048
_R1 = 256
_G1 = _S // _R1
_R2 = 256
_G2 = _S // _R2


def _mag_min_body(x_ref, pmin_ref):
    m = (jnp.abs(x_ref[0]) + jnp.abs(x_ref[1])) * 0.5
    pmin_ref[pl.program_id(0)] = jnp.min(m)


_pass1 = pl.pallas_call(
    _mag_min_body,
    grid=(_G1,),
    in_specs=[pl.BlockSpec((_B, _R1, _D), lambda i: (0, i, 0))],
    out_specs=pl.BlockSpec(memory_space=pltpu.SMEM),
    out_shape=jax.ShapeDtypeStruct((_G1,), jnp.float32),
)


_sc_mesh = plsc.VectorSubcoreMesh(core_axis_name="c", subcore_axis_name="s")


@functools.partial(
    pl.kernel,
    mesh=_sc_mesh,
    out_type=jax.ShapeDtypeStruct((16,), jnp.float32),
    scratch_types=[
        pltpu.VMEM((_G1,), jnp.float32),
        pltpu.VMEM((16,), jnp.float32),
    ],
)
def _sc_merge(pmin_hbm, thr_hbm, vin, vout):
    c = lax.axis_index("c")
    s = lax.axis_index("s")

    @pl.when(jnp.logical_and(c == 0, s == 0))
    def _():
        pltpu.sync_copy(pmin_hbm, vin)
        v = vin[pl.ds(0, 16)]
        for k in range(1, _G1 // 16):
            v = jnp.minimum(v, vin[pl.ds(16 * k, 16)])
        t = v[0]
        for k in range(1, 16):
            t = jnp.minimum(t, v[k])
        vout[...] = jnp.full((16,), t, dtype=jnp.float32)
        pltpu.sync_copy(vout, thr_hbm)


def _mask_mul_body(thr_ref, x_ref, o_ref):
    t = thr_ref[0]
    m = (jnp.abs(x_ref[0]) + jnp.abs(x_ref[1])) * 0.5
    keep = (m >= t).astype(jnp.float32)
    o_ref[0] = x_ref[0] * keep
    o_ref[1] = x_ref[1] * keep


_pass2 = pl.pallas_call(
    _mask_mul_body,
    grid=(_G2,),
    in_specs=[
        pl.BlockSpec(memory_space=pltpu.SMEM),
        pl.BlockSpec((_B, _R2, _D), lambda i: (0, i, 0)),
    ],
    out_specs=pl.BlockSpec((_B, _R2, _D), lambda i: (0, i, 0)),
    out_shape=jax.ShapeDtypeStruct((_B, _S, _D), jnp.float32),
)


def kernel(x):
    partials = _pass1(x)
    thr = _sc_merge(partials)
    return _pass2(thr, x)

# --- scband reference (transcript-rebuilt; emitter-appended) ---
"""Pipeline reference for scband-prune-layer-46514495816084 (READ-ONLY COPY).

The authoritative reference and input builder live on the scoring server;
editing this copy changes nothing except your own understanding.
"""

import jax, jax.numpy as jnp
import numpy as np

# PruneLayer(start=0) first training-step semantics:
# - lazily create mask of shape (1, *x.shape[1:]) (collapse dim 0)
# - _n_updates=0 is not in schedules -> _cur_sparsity stays 0.0
# - _n_updates(0) >= start(0) -> MagnitudePruningCallback(x, sparsity=0.0, mask)
#   * magnitude initialized to zeros, t=0, refresh_interval -> 1
#   * update_magnitude: magnitude = align(|x|, mask.shape) = mean(|x|, dim=0, keepdim)
#   * t % 1 == 0 and sparsity >= 0 -> prune_and_update_mask:
#       values = sort(magnitude.flatten()); idx = max(int(sparsity*n - 1), 0)
#       threshold = values[idx]; mask = magnitude >= threshold; out = x * mask

SPARSITY_CUR = 0.0  # value of _cur_sparsity on the first step

def setup_inputs(seed: int = 0) -> dict:
    key = jax.random.key(seed)
    x = jax.random.normal(key, (2, 8192, 2048), dtype=jnp.float32)
    return {"x": x}

def reference(x):
    # align |x| to mask shape (1, S, D): mean over collapsed dim 0
    magnitude = jnp.mean(jnp.abs(x), axis=0, keepdims=True)
    values = jnp.sort(magnitude.reshape(-1))
    n = values.shape[0]
    idx = max(int(SPARSITY_CUR * n - 1), 0)
    threshold = values[idx]
    mask = (magnitude >= threshold).astype(x.dtype)
    return x * mask

if __name__ == "__main__":
    import jax
    _d = setup_inputs()
    print(jax.jit(kernel)(*tuple(_d.values())))

</pallas_src>

<mosaic_0001>
#map = affine_map<(d0, d1) -> (0)>
module attributes {stable_mosaic.version = 14 : i64} {
  func.func @_sc_merge(%arg0: i32, %arg1: i32, %arg2: memref<32xf32, #tpu.memory_space<hbm>>, %arg3: memref<16xf32, #tpu.memory_space<hbm>>, %arg4: memref<32xf32, #tpu.memory_space<vmem>>, %arg5: memref<16xf32, #tpu.memory_space<vmem>>) attributes {dimension_semantics = [#tpu.dimension_semantics<core_parallel>, #tpu.dimension_semantics<subcore_parallel>], iteration_bounds = array<i64: 2, 16>, scalar_prefetch = 0 : i64, scratch_operands = 2 : i64, tpu.core_type = #tpu.core_type<sc_vector_subcore>, window_params = [{transform_indices = #map}, {transform_indices = #map}]} {
    %eq3A = arith.constant 0 : i32
    %eq3A_0 = arith.cmpi eq, %arg0, %eq3A : i32
    %eq3A_1 = arith.constant 0 : i32
    %eq3A_2 = arith.cmpi eq, %arg1, %eq3A_1 : i32
    %and3A = arith.andi %eq3A_0, %eq3A_2 : i1
    %convert_element_type3A = arith.extui %and3A : i1 to i32
    %cond3A = arith.constant 0 : i32
    %cond3A_3 = arith.cmpi ne, %convert_element_type3A, %cond3A : i32
    scf.if %cond3A_3 {
      "tpu.region"() ({
        %run_scoped3A = tpu.sem_alloc : memref<!tpu.dma_semaphore, #tpu.memory_space<semaphore_mem>>
        tpu.enqueue_dma source(%arg2 : memref<32xf32, #tpu.memory_space<hbm>>) target(%arg4 : memref<32xf32, #tpu.memory_space<vmem>>) target_semaphore(%run_scoped3A : memref<!tpu.dma_semaphore, #tpu.memory_space<semaphore_mem>>)
        tpu.wait_dma2 semaphore(%run_scoped3A : memref<!tpu.dma_semaphore, #tpu.memory_space<semaphore_mem>>) src(%arg2 : memref<32xf32, #tpu.memory_space<hbm>>) dst(%arg4 : memref<32xf32, #tpu.memory_space<vmem>>)
        tpu.yield
      }) : () -> ()
      %get3A = arith.constant 0 : index
      %get3A_4 = tpu.vector_load %arg4[%get3A] {strides = array<i32>} : memref<32xf32, #tpu.memory_space<vmem>>, vector<16xf32>,
      %get3A_5 = vector.shape_cast %get3A_4 : vector<16xf32> to vector<16xf32>
      %get3A_6 = arith.constant 16 : index
      %get3A_7 = tpu.vector_load %arg4[%get3A_6] {strides = array<i32>} : memref<32xf32, #tpu.memory_space<vmem>>, vector<16xf32>,
      %get3A_8 = vector.shape_cast %get3A_7 : vector<16xf32> to vector<16xf32>
      %min3A = arith.minimumf %get3A_5, %get3A_8 : vector<16xf32>
      %slice3A = vector.extract_strided_slice %min3A {offsets = [0], sizes = [1], strides = [1]} : vector<16xf32> to vector<1xf32>
      %squeeze3A = vector.extract %slice3A[0] : f32 from vector<1xf32>
      %slice3A_9 = vector.extract_strided_slice %min3A {offsets = [1], sizes = [1], strides = [1]} : vector<16xf32> to vector<1xf32>
      %squeeze3A_10 = vector.extract %slice3A_9[0] : f32 from vector<1xf32>
      %min3A_11 = arith.minimumf %squeeze3A, %squeeze3A_10 : f32
      %slice3A_12 = vector.extract_strided_slice %min3A {offsets = [2], sizes = [1], strides = [1]} : vector<16xf32> to vector<1xf32>
      %squeeze3A_13 = vector.extract %slice3A_12[0] : f32 from vector<1xf32>
      %min3A_14 = arith.minimumf %min3A_11, %squeeze3A_13 : f32
      %slice3A_15 = vector.extract_strided_slice %min3A {offsets = [3], sizes = [1], strides = [1]} : vector<16xf32> to vector<1xf32>
      %squeeze3A_16 = vector.extract %slice3A_15[0] : f32 from vector<1xf32>
      %min3A_17 = arith.minimumf %min3A_14, %squeeze3A_16 : f32
      %slice3A_18 = vector.extract_strided_slice %min3A {offsets = [4], sizes = [1], strides = [1]} : vector<16xf32> to vector<1xf32>
      %squeeze3A_19 = vector.extract %slice3A_18[0] : f32 from vector<1xf32>
      %min3A_20 = arith.minimumf %min3A_17, %squeeze3A_19 : f32
      %slice3A_21 = vector.extract_strided_slice %min3A {offsets = [5], sizes = [1], strides = [1]} : vector<16xf32> to vector<1xf32>
      %squeeze3A_22 = vector.extract %slice3A_21[0] : f32 from vector<1xf32>
      %min3A_23 = arith.minimumf %min3A_20, %squeeze3A_22 : f32
      %slice3A_24 = vector.extract_strided_slice %min3A {offsets = [6], sizes = [1], strides = [1]} : vector<16xf32> to vector<1xf32>
      %squeeze3A_25 = vector.extract %slice3A_24[0] : f32 from vector<1xf32>
      %min3A_26 = arith.minimumf %min3A_23, %squeeze3A_25 : f32
      %slice3A_27 = vector.extract_strided_slice %min3A {offsets = [7], sizes = [1], strides = [1]} : vector<16xf32> to vector<1xf32>
      %squeeze3A_28 = vector.extract %slice3A_27[0] : f32 from vector<1xf32>
      %min3A_29 = arith.minimumf %min3A_26, %squeeze3A_28 : f32
      %slice3A_30 = vector.extract_strided_slice %min3A {offsets = [8], sizes = [1], strides = [1]} : vector<16xf32> to vector<1xf32>
      %squeeze3A_31 = vector.extract %slice3A_30[0] : f32 from vector<1xf32>
      %min3A_32 = arith.minimumf %min3A_29, %squeeze3A_31 : f32
      %slice3A_33 = vector.extract_strided_slice %min3A {offsets = [9], sizes = [1], strides = [1]} : vector<16xf32> to vector<1xf32>
      %squeeze3A_34 = vector.extract %slice3A_33[0] : f32 from vector<1xf32>
      %min3A_35 = arith.minimumf %min3A_32, %squeeze3A_34 : f32
      %slice3A_36 = vector.extract_strided_slice %min3A {offsets = [10], sizes = [1], strides = [1]} : vector<16xf32> to vector<1xf32>
      %squeeze3A_37 = vector.extract %slice3A_36[0] : f32 from vector<1xf32>
      %min3A_38 = arith.minimumf %min3A_35, %squeeze3A_37 : f32
      %slice3A_39 = vector.extract_strided_slice %min3A {offsets = [11], sizes = [1], strides = [1]} : vector<16xf32> to vector<1xf32>
      %squeeze3A_40 = vector.extract %slice3A_39[0] : f32 from vector<1xf32>
      %min3A_41 = arith.minimumf %min3A_38, %squeeze3A_40 : f32
      %slice3A_42 = vector.extract_strided_slice %min3A {offsets = [12], sizes = [1], strides = [1]} : vector<16xf32> to vector<1xf32>
      %squeeze3A_43 = vector.extract %slice3A_42[0] : f32 from vector<1xf32>
      %min3A_44 = arith.minimumf %min3A_41, %squeeze3A_43 : f32
      %slice3A_45 = vector.extract_strided_slice %min3A {offsets = [13], sizes = [1], strides = [1]} : vector<16xf32> to vector<1xf32>
      %squeeze3A_46 = vector.extract %slice3A_45[0] : f32 from vector<1xf32>
      %min3A_47 = arith.minimumf %min3A_44, %squeeze3A_46 : f32
      %slice3A_48 = vector.extract_strided_slice %min3A {offsets = [14], sizes = [1], strides = [1]} : vector<16xf32> to vector<1xf32>
      %squeeze3A_49 = vector.extract %slice3A_48[0] : f32 from vector<1xf32>
      %min3A_50 = arith.minimumf %min3A_47, %squeeze3A_49 : f32
      %slice3A_51 = vector.extract_strided_slice %min3A {offsets = [15], sizes = [1], strides = [1]} : vector<16xf32> to vector<1xf32>
      %squeeze3A_52 = vector.extract %slice3A_51[0] : f32 from vector<1xf32>
      %min3A_53 = arith.minimumf %min3A_50, %squeeze3A_52 : f32
      %broadcast_in_dim3A = vector.broadcast %min3A_53 : f32 to vector<16xf32>
      %swap3A = arith.constant 0 : index
      %swap3A_54 = tpu.vector_load %arg5[%swap3A] {strides = array<i32>} : memref<16xf32, #tpu.memory_space<vmem>>, vector<16xf32>,
      %swap3A_55 = vector.shape_cast %swap3A_54 : vector<16xf32> to vector<16xf32>
      %swap3A_56 = vector.shape_cast %broadcast_in_dim3A : vector<16xf32> to vector<16xf32>
      tpu.vector_store %arg5[%swap3A], %swap3A_56 {strides = array<i32>} : memref<16xf32, #tpu.memory_space<vmem>>, vector<16xf32>,
      "tpu.region"() ({
        %run_scoped3A = tpu.sem_alloc : memref<!tpu.dma_semaphore, #tpu.memory_space<semaphore_mem>>
        tpu.enqueue_dma source(%arg5 : memref<16xf32, #tpu.memory_space<vmem>>) target(%arg3 : memref<16xf32, #tpu.memory_space<hbm>>) target_semaphore(%run_scoped3A : memref<!tpu.dma_semaphore, #tpu.memory_space<semaphore_mem>>)
        tpu.wait_dma2 semaphore(%run_scoped3A : memref<!tpu.dma_semaphore, #tpu.memory_space<semaphore_mem>>) src(%arg5 : memref<16xf32, #tpu.memory_space<vmem>>) dst(%arg3 : memref<16xf32, #tpu.memory_space<hbm>>)
        tpu.yield
      }) : () -> ()
    } else {
    }
    return
  }
}

module attributes {stable_mosaic.version = 14 : i64} {
  func.func @_mag_min_body(%arg0: i32, %arg1: memref<2x256x2048xf32, #tpu.memory_space<vmem>>, %arg2: memref<32xf32, #tpu.memory_space<smem>>) attributes {dimension_semantics = [#tpu.dimension_semantics<arbitrary>], iteration_bounds = array<i64: 32>, scalar_prefetch = 0 : i64, scratch_operands = 0 : i64, tpu.core_type = #tpu.core_type<tc>, window_params = [{transform_indices = @transform_0, window_bounds = array<i64: 2, 256, 2048>}, {transform_indices = @transform_1, window_bounds = array<i64: 32>}]} {
    %get3A = arith.constant 0 : index
    %get3A_0 = arith.constant 0 : index
    %get3A_1 = arith.constant 0 : index
    %get3A_2 = vector.load %arg1[%get3A, %get3A_0, %get3A_1] : memref<2x256x2048xf32, #tpu.memory_space<vmem>>, vector<1x256x2048xf32>
    %get3A_3 = vector.shape_cast %get3A_2 : vector<1x256x2048xf32> to vector<256x2048xf32>
    %abs3A = math.absf %get3A_3 : vector<256x2048xf32>
    %get3A_4 = arith.constant 1 : index
    %get3A_5 = arith.constant 0 : index
    %get3A_6 = arith.constant 0 : index
    %get3A_7 = vector.load %arg1[%get3A_4, %get3A_5, %get3A_6] : memref<2x256x2048xf32, #tpu.memory_space<vmem>>, vector<1x256x2048xf32>
    %get3A_8 = vector.shape_cast %get3A_7 : vector<1x256x2048xf32> to vector<256x2048xf32>
    %abs3A_9 = math.absf %get3A_8 : vector<256x2048xf32>
    %add3A = arith.addf %abs3A, %abs3A_9 : vector<256x2048xf32>
    %mul3A = arith.constant 5.000000e-01 : f32
    %mul3A_10 = vector.broadcast %mul3A : f32 to vector<256x2048xf32>
    %mul3A_11 = arith.mulf %add3A, %mul3A_10 : vector<256x2048xf32>
    %reduce_min3A = vector.shape_cast %mul3A_11 : vector<256x2048xf32> to vector<1x256x2048xf32>
    %reduce_min3A_12 = arith.constant dense<0x7F800000> : vector<1xf32>
    %reduce_min3A_13 = vector.multi_reduction <minimumf>, %reduce_min3A, %reduce_min3A_12 [1, 2] : vector<1x256x2048xf32> to vector<1xf32>
    %reduce_min3A_14 = vector.shape_cast %reduce_min3A_13 : vector<1xf32> to vector<1x1x1xf32>
    %reduce_min3A_15 = vector.extract %reduce_min3A_14[0, 0, 0] : f32 from vector<1x1x1xf32>
    %swap3A = arith.index_cast %arg0 : i32 to index
    %swap3A_16 = memref.load %arg2[%swap3A] : memref<32xf32, #tpu.memory_space<smem>>
    memref.store %reduce_min3A_15, %arg2[%swap3A] : memref<32xf32, #tpu.memory_space<smem>>
    return
  }
  func.func @transform_0(%arg0: i32) -> (i32, i32, i32) {
    %c0_i32 = arith.constant 0 : i32
    %c0_i32_0 = arith.constant 0 : i32
    %c0_i32_1 = arith.constant 0 : i32
    return %c0_i32, %arg0, %c0_i32_0 : i32, i32, i32
  }
  func.func @transform_1(%arg0: i32) -> i32 {
    %c0_i32 = arith.constant 0 : i32
    %c0_i32_0 = arith.constant 0 : i32
    return %c0_i32 : i32
  }
}

module attributes {stable_mosaic.version = 14 : i64} {
  func.func @_mask_mul_body(%arg0: i32, %arg1: memref<16xf32, #tpu.memory_space<smem>>, %arg2: memref<2x256x2048xf32, #tpu.memory_space<vmem>>, %arg3: memref<2x256x2048xf32, #tpu.memory_space<vmem>>) attributes {dimension_semantics = [#tpu.dimension_semantics<arbitrary>], iteration_bounds = array<i64: 32>, scalar_prefetch = 0 : i64, scratch_operands = 0 : i64, tpu.core_type = #tpu.core_type<tc>, window_params = [{transform_indices = @transform_0, window_bounds = array<i64: 16>}, {transform_indices = @transform_1, window_bounds = array<i64: 2, 256, 2048>}, {transform_indices = @transform_2, window_bounds = array<i64: 2, 256, 2048>}]} {
    %get3A = arith.constant 0 : index
    %get3A_0 = memref.load %arg1[%get3A] : memref<16xf32, #tpu.memory_space<smem>>
    %get3A_1 = arith.constant 0 : index
    %get3A_2 = arith.constant 0 : index
    %get3A_3 = arith.constant 0 : index
    %get3A_4 = vector.load %arg2[%get3A_1, %get3A_2, %get3A_3] : memref<2x256x2048xf32, #tpu.memory_space<vmem>>, vector<1x256x2048xf32>
    %get3A_5 = vector.shape_cast %get3A_4 : vector<1x256x2048xf32> to vector<256x2048xf32>
    %abs3A = math.absf %get3A_5 : vector<256x2048xf32>
    %get3A_6 = arith.constant 1 : index
    %get3A_7 = arith.constant 0 : index
    %get3A_8 = arith.constant 0 : index
    %get3A_9 = vector.load %arg2[%get3A_6, %get3A_7, %get3A_8] : memref<2x256x2048xf32, #tpu.memory_space<vmem>>, vector<1x256x2048xf32>
    %get3A_10 = vector.shape_cast %get3A_9 : vector<1x256x2048xf32> to vector<256x2048xf32>
    %abs3A_11 = math.absf %get3A_10 : vector<256x2048xf32>
    %add3A = arith.addf %abs3A, %abs3A_11 : vector<256x2048xf32>
    %mul3A = arith.constant 5.000000e-01 : f32
    %mul3A_12 = vector.broadcast %mul3A : f32 to vector<256x2048xf32>
    %mul3A_13 = arith.mulf %add3A, %mul3A_12 : vector<256x2048xf32>
    %ge3A = vector.broadcast %get3A_0 : f32 to vector<256x2048xf32>
    %ge3A_14 = arith.cmpf oge, %mul3A_13, %ge3A : vector<256x2048xf32>
    %convert_element_type3A = arith.extui %ge3A_14 : vector<256x2048xi1> to vector<256x2048xi32>
    %convert_element_type3A_15 = arith.sitofp %convert_element_type3A : vector<256x2048xi32> to vector<256x2048xf32>
    %get3A_16 = arith.constant 0 : index
    %get3A_17 = arith.constant 0 : index
    %get3A_18 = arith.constant 0 : index
    %get3A_19 = vector.load %arg2[%get3A_16, %get3A_17, %get3A_18] : memref<2x256x2048xf32, #tpu.memory_space<vmem>>, vector<1x256x2048xf32>
    %get3A_20 = vector.shape_cast %get3A_19 : vector<1x256x2048xf32> to vector<256x2048xf32>
    %mul3A_21 = arith.mulf %get3A_20, %convert_element_type3A_15 : vector<256x2048xf32>
    %swap3A = arith.constant 0 : index
    %swap3A_22 = arith.constant 0 : index
    %swap3A_23 = arith.constant 0 : index
    %swap3A_24 = vector.load %arg3[%swap3A, %swap3A_22, %swap3A_23] : memref<2x256x2048xf32, #tpu.memory_space<vmem>>, vector<1x256x2048xf32>
    %swap3A_25 = vector.shape_cast %swap3A_24 : vector<1x256x2048xf32> to vector<256x2048xf32>
    %swap3A_26 = vector.shape_cast %mul3A_21 : vector<256x2048xf32> to vector<1x256x2048xf32>
    tpu.vector_store %arg3[%swap3A, %swap3A_22, %swap3A_23], %swap3A_26 {strides = array<i32>} : memref<2x256x2048xf32, #tpu.memory_space<vmem>>, vector<1x256x2048xf32>,
    %get3A_27 = arith.constant 1 : index
    %get3A_28 = arith.constant 0 : index
    %get3A_29 = arith.constant 0 : index
    %get3A_30 = vector.load %arg2[%get3A_27, %get3A_28, %get3A_29] : memref<2x256x2048xf32, #tpu.memory_space<vmem>>, vector<1x256x2048xf32>
    %get3A_31 = vector.shape_cast %get3A_30 : vector<1x256x2048xf32> to vector<256x2048xf32>
    %mul3A_32 = arith.mulf %get3A_31, %convert_element_type3A_15 : vector<256x2048xf32>
    %swap3A_33 = arith.constant 1 : index
    %swap3A_34 = arith.constant 0 : index
    %swap3A_35 = arith.constant 0 : index
    %swap3A_36 = vector.load %arg3[%swap3A_33, %swap3A_34, %swap3A_35] : memref<2x256x2048xf32, #tpu.memory_space<vmem>>, vector<1x256x2048xf32>
    %swap3A_37 = vector.shape_cast %swap3A_36 : vector<1x256x2048xf32> to vector<256x2048xf32>
    %swap3A_38 = vector.shape_cast %mul3A_32 : vector<256x2048xf32> to vector<1x256x2048xf32>
    tpu.vector_store %arg3[%swap3A_33, %swap3A_34, %swap3A_35], %swap3A_38 {strides = array<i32>} : memref<2x256x2048xf32, #tpu.memory_space<vmem>>, vector<1x256x2048xf32>,
    return
  }
  func.func @transform_0(%arg0: i32) -> i32 {
    %c0_i32 = arith.constant 0 : i32
    %c0_i32_0 = arith.constant 0 : i32
    return %c0_i32 : i32
  }
  func.func @transform_1(%arg0: i32) -> (i32, i32, i32) {
    %c0_i32 = arith.constant 0 : i32
    %c0_i32_0 = arith.constant 0 : i32
    %c0_i32_1 = arith.constant 0 : i32
    return %c0_i32, %arg0, %c0_i32_0 : i32, i32, i32
  }
  func.func @transform_2(%arg0: i32) -> (i32, i32, i32) {
    %c0_i32 = arith.constant 0 : i32
    %c0_i32_0 = arith.constant 0 : i32
    %c0_i32_1 = arith.constant 0 : i32
    return %c0_i32, %arg0, %c0_i32_0 : i32, i32, i32
  }
}

</mosaic_0001>

<sc_bundles>
// kernel: kernel.5.cloned.1.call-start
scs
__scs_entry_jumppad:
0x0: {  	(pc) =	sbr.rel $0x88, $3  }
0x1: {  	(tag) =	ssettag $0x0;
	lr =	simm.s32 $0x1  }
0x2: {  	[smem:$0x3FA0] =	sst lr;
	_ =	strace $0xD0000000  }
0x3: {  	_ = 	snop  }
0x4: {  	_ = 	snop  }
0x5: {  	_ = 	snop  }
0x6: {  	_ = 	snop  }
0x7: {  	_ = 	snop  }
__scs_overlays_trampoline_lowered:
0x8: {  	[smem:$0x3FAF] =	sst s0  }
0x9: {  	[smem:$0x3FB0] =	sst s1  }
0xa: {  	[smem:$0x3FB1] =	sst s2  }
0xb: {  	[smem:$0x3FB2] =	sst s3  }
0xc: {  	[smem:$0x3FB3] =	sst s4  }
0xd: {  	[smem:$0x3FB4] =	sst s5  }
0xe: {  	[smem:$0x3FB5] =	sst s6  }
0xf: {  	[smem:$0x3FB6] =	sst s7  }
0x10: {  	[smem:$0x3FB7] =	sst s8  }
0x11: {  	[smem:$0x3FB8] =	sst s9;
	s0 =	simm.s32 @!p0 $0x0  }
0x12: {  	s1 =	sld [smem:$0x3F9E];
	s0 =	simm.s32 @p0 $0x1  }
0x13: {  	[smem:$0x3FB9] =	sst s0;
	s0 =	simm.s32 @!p1 $0x0  }
0x14: {  	s2 =	sld [smem:$0x3F9D];
	s0 =	simm.s32 @p1 $0x1  }
0x15: {  	[smem:$0x3FBA] =	sst s0;
	s0 =	simm.s32 @!p2 $0x0  }
0x16: {  	s3 =	sld [smem:$0x3FDB];
	s0 =	simm.s32 @p2 $0x1  }
0x17: {  	s4 =	simm.s32 $0x1BF5;
	[smem:$0x3FBC] =	sst s0  }
0x18: {  	s0 =	sld [smem:$0x3F9F];
	_ =	swait.ge [sflag:s4], $0x0  }
0x19: {  	s7 =	sld [smem:$0x3FA0]  }
0x1a: {  	s8 =	sadd.s32 $0xFFFFE003, lr  }
0x1b: {  	s9 =	sadd.s32 $0xFFFFFEF7, lr;
	s5 =	simm.s32 $0xFFFFFFFF;
	p2 =	slt.u32 s8, $0xFFFFF086  }
0x1c: {  	p1 =	slt.u32 s9, $0xF7A;
	s5 =	simm.s32 @!p2 $0x0  }
0x1d: {  	s5 =	simm.s32 @p1 $0x1;
	p0 =	seq.s32 s7, s2  }
0x1e: {  	s7 =	smul.u32 @!p0 $0xF7A, s2;
	p2 =	seq.s32 @!p0 s5, $0x0  }
0x1f: {  	s9 =	smul.u32 $0xF7A, s1;
	s8 =	simm.s32 @!p0 $0x1BF5;
	p2 =	por !p2, p0  }
0x20: {  	[sflag:s8] =	ssyncset.s32 @!p0 $0xFFFFF086;
	s6 =	sadd.s32 @!p0 s3, s7;
	s7 =	simm.s32 @!p0 $0x108  }
0x21: {  	s3 =	sadd.s32 s3, s9;
	s6 =	sadd.s32 @!p0 $0x88, s6;
	s7 =	simm.s32 @p2 $0x1082  }
0x22: {  	[simem:s7], [sflag:s8] =	dma.local @!p0 [hbm:s6], $0xF7A  }
0x23: {  	s9 =	sor.u32 $0xD0000000, s2;
	s6 =	simm.s32 $0x108;
	_ =	swait.ge @!p0 [sflag:s8], $0x0  }
0x24: {  	s3 =	sadd.s32 $0x88, s3;
	s6 =	simm.s32 @!p1 $0x1082;
	[sflag:s4] =	ssyncset.s32 $0xFFFFF086  }
0x25: {  	[simem:s6], [sflag:s4] =	dma.local [hbm:s3], $0xF7A  }
0x26: {  	[smem:$0x3FA0] =	sst s1;
	(tag) =	ssettag s2;
	_ =	strace s9  }
0x27: {  	s1 =	sld [smem:$0x3FB0]  }
0x28: {  	s2 =	sld [smem:$0x3FB1]  }
0x29: {  	s4 =	sld [smem:$0x3FB3]  }
0x2a: {  	p0 =	seq.s32 s5, $0x0;
	s5 =	sld [smem:$0x3FB4]  }
0x2b: {  	s6 =	sld [smem:$0x3FB5]  }
0x2c: {  	s7 =	sld [smem:$0x3FB6]  }
0x2d: {  	s3 =	simm.s32 $0x108;
	s8 =	sld [smem:$0x3FB7]  }
0x2e: {  	s3 =	simm.s32 @!p0 $0x1082;
	s9 =	sld [smem:$0x3FB8]  }
0x2f: {  	lr =	sadd.s32 s0, s3;
	s0 =	sld [smem:$0x3FAF]  }
0x30: {  	s3 =	sld [smem:$0x3FB2]  }
0x31: {  	[smem:$0x3FBB] =	sst s10  }
0x32: {  	s10 =	sld [smem:$0x3FB9];
	_ =	sdelay $0x3  }
0x33: {  	p0 =	seq.s32 s10, $0x1;
	s10 =	sld [smem:$0x3FBB];
	_ =	sdelay $0x3  }
0x34: {  	[smem:$0x3FBB] =	sst s10  }
0x35: {  	s10 =	sld [smem:$0x3FBA];
	_ =	sdelay $0x3  }
0x36: {  	p1 =	seq.s32 s10, $0x1;
	s10 =	sld [smem:$0x3FBB];
	_ =	sdelay $0x3  }
0x37: {  	[smem:$0x3FBB] =	sst s10  }
0x38: {  	s10 =	sld [smem:$0x3FBC]  }
0x39: {  	_ = 	snop;
	(pc) =	sbr.ind lr, $3  }
0x3a: {  	_ = 	snop  }
0x3b: {  	_ = 	snop  }
0x3c: {  	p2 =	seq.s32 s10, $0x1;
	s10 =	sld [smem:$0x3FBB]  }
0x3d: {  	_ =	shalt  }
0x3e: {  	_ =	shalt  }
0x3f: {  	_ =	shalt  }
0x40: {  	_ =	shalt  }
0x41: {  	_ =	shalt  }
0x42: {  	_ =	shalt  }
0x43: {  	_ =	shalt  }
0x44: {  	_ =	shalt  }
0x45: {  	_ =	shalt  }
0x46: {  	_ =	shalt  }
0x47: {  	_ =	shalt  }
0x48: {  	_ =	shalt  }
0x49: {  	_ =	shalt  }
0x4a: {  	_ =	shalt  }
0x4b: {  	_ =	shalt  }
0x4c: {  	_ =	shalt  }
0x4d: {  	_ =	shalt  }
0x4e: {  	_ =	shalt  }
0x4f: {  	_ =	shalt  }
0x50: {  	_ =	shalt  }
0x51: {  	_ =	shalt  }
0x52: {  	_ =	shalt  }
0x53: {  	_ =	shalt  }
0x54: {  	_ =	shalt  }
0x55: {  	_ =	shalt  }
0x56: {  	_ =	shalt  }
0x57: {  	_ =	shalt  }
0x58: {  	_ =	shalt  }
0x59: {  	_ =	shalt  }
0x5a: {  	_ =	shalt  }
0x5b: {  	_ =	shalt  }
0x5c: {  	_ =	shalt  }
0x5d: {  	_ =	shalt  }
0x5e: {  	_ =	shalt  }
0x5f: {  	_ =	shalt  }
0x60: {  	_ =	shalt  }
0x61: {  	_ =	shalt  }
0x62: {  	_ =	shalt  }
0x63: {  	_ =	shalt  }
0x64: {  	_ =	shalt  }
0x65: {  	_ =	shalt  }
0x66: {  	_ =	shalt  }
0x67: {  	_ =	shalt  }
0x68: {  	_ =	shalt  }
0x69: {  	_ =	shalt  }
0x6a: {  	_ =	shalt  }
0x6b: {  	_ =	shalt  }
0x6c: {  	_ =	shalt  }
0x6d: {  	_ =	shalt  }
0x6e: {  	_ =	shalt  }
0x6f: {  	_ =	shalt  }
0x70: {  	_ =	shalt  }
0x71: {  	_ =	shalt  }
0x72: {  	_ =	shalt  }
0x73: {  	_ =	shalt  }
0x74: {  	_ =	shalt  }
0x75: {  	_ =	shalt  }
0x76: {  	_ =	shalt  }
0x77: {  	_ =	shalt  }
0x78: {  	_ =	shalt  }
0x79: {  	_ =	shalt  }
0x7a: {  	_ =	shalt  }
0x7b: {  	_ =	shalt  }
0x7c: {  	_ =	shalt  }
0x7d: {  	_ =	shalt  }
0x7e: {  	_ =	shalt  }
0x7f: {  	_ =	shalt  }
0x80: {  	_ =	shalt  }
0x81: {  	_ =	shalt  }
0x82: {  	_ =	shalt  }
0x83: {  	_ =	shalt  }
0x84: {  	_ =	shalt  }
0x85: {  	_ =	shalt  }
0x86: {  	_ =	shalt  }
0x87: {  	_ =	shalt  }
.Lfunc_end0:
.L_simem_size_0:
called_computation_lowered:
.L_overlay_start_0:
0x88: {  	s2 =	sld [smem:$0x3FD9]  }
0x89: {  	s3 =	sld [smem:$0x3FFE];
	_ =	sdelay $0x1  }
0x8a: {  	s1 =	srdreg.scid  }
0x8b: {  	s0 =	sand.u32 $0x1, s1  }
0x8c: {  	s17 =	sshll.u32 s0, $0xA;
	s2 =	sadd.s32 s3, s2  }
0x8d: {  	s2 =	sadd.s32 s2, s17  }
0x8e: {  	[smem:$0x3FC7] =	sst s2  }
0x8f: {  	_ = 	snop  }
0x90: {  	s2 =	sld [smem:$0x3FD0];
	(tm) =	ssettm $0x1  }
0x91: {  	s18 =	sld [smem:$0x3FFB];
	_ =	sdelay $0x3  }
0x92: {  	_ =	strace s18  }
0x93: {  	s3 =	sld [smem:$0x3FFC];
	_ =	sdelay $0x3  }
0x94: {  	_ =	strace s3  }
0x95: {  	s3 =	sld [smem:$0x3FFD];
	_ =	sdelay $0x3  }
0x96: {  	_ =	strace s3  }
0x97: {  	_ =	strace $0x8FFFFFFF  }
0x98: {  	s19 =	sld [smem:$0x3FDB];
	_ =	sdelay $0x1  }
0x99: {  	s4 =	simm.s32 $_scs_section_size  }
0x9a: {  	s5 =	simm.s32 $_size__tile_overlayer_lowered;
	s6 =	simm.s32 $_tile_overlayer_lowered  }
0x9b: {  	s22 =	simm.s32 $0x1BFF;
	s21 =	sshll.u32 s6, $0x1;
	s3 =	sadd.s32 s4, s19  }
0x9c: {  	s7 =	simm.s32 $0x0;
	s20 =	sshll.u32 s5, $0x1;
	s5 =	sadd.s32 s21, s3  }
0x9d: {  	[timem:s7], [sflag:s22] =	dma.local [hbm:s5], s20  }
0x9e: {  	_ =	swait.ge [sflag:s22], s20  }
0x9f: {  	s4 =	ssub.s32 $0x0, s20;
	[sflag:s22] =	ssyncset.done $0x0  }
0xa0: {  	[sflag:s22] =	ssyncadd.s32 s4;
	_ =	sdelay $0x1  }
0xa1: {  	s23 =	simm.s32 $0x1B8B  }
0xa2: {  	_ =	swait.ge [sflag:s23], $0x1  }
0xa3: {  	[sflag:s23] =	ssyncset.done $0x0  }
0xa4: {  	s25 =	simm.s32 $0x1B8E;
	s24 =	sld [smem:$0x3FFE];
	[sflag:s23] =	ssyncadd.s32 $0xFFFFFFFF  }
0xa5: {  	s26 =	simm.s32 $execute0_lowered;
	[smem:$0x3FD2] =	sst s25  }
0xa6: {  	s5 =	sshll.u32 s26, $0x1;
	_ =	strace $0x80000046;
	[dreg:$0x1] =	wrdreg $0xFFFFFFFF  }
0xa7: {  	s28 =	simm.s32 $_size_execute0_lowered;
	s3 =	sadd.s32 s3, s5;
	[dreg:$0x0] =	wrdreg $0x0  }
0xa8: {  	s5 =	sshll.u32 s28, $0x1;
	[dreg:$0x2] =	wrdreg s3  }
0xa9: {  	[dreg:$0x3] =	wrdreg s5  }
0xaa: {  	[dreg:$0x4] =	wrdreg $0xC0  }
0xab: {  	_ =	task [dreg:s7], $0x5FFFF  }
0xac: {  	[dreg:$0x1] =	wrdreg $0xFFFFFFFF  }
0xad: {  	[dreg:$0x0] =	wrdreg $0x60  }
0xae: {  	[dreg:$0x2] =	wrdreg s2  }
0xaf: {  	[dreg:$0x3] =	wrdreg s24  }
0xb0: {  	[dreg:$0x4] =	wrdreg $0x9  }
0xb1: {  	_ =	task.clear_ibuf [dreg:s7], $0x5FFFF;
	_ =	strace $0x90000046  }
0xb2: {  	s29 =	simm.s32 $0x9;
	_ =	strace $0x80000048  }
0xb3: {  	_ =	swait.ge [sflag:s29], $0x1  }
0xb4: {  	[sflag:s29] =	ssyncadd.s32 $0xFFFFFFFF  }
0xb5: {  	_ =	strace $0x90000048  }
0xb6: {  	_ =	sfence  }
0xb7: {  	s30 =	sld [smem:$0x0];
	_ =	sdelay $0x2  }
0xb8: {  	s31 =	sshll.u32 s1, $0xD;
	s1 =	sshrl.u32 s1, $0x2  }
0xb9: {  	s3 =	sand.u32 $0x4000, s31;
	s1 =	sadd.s32 s1, s30  }
0xba: {  	s0 =	sor.u32 s3, s0;
	s1 =	sshll.u32 s1, $0x11  }
0xbb: {  	s0 =	sor.u32 s1, s0  }
0xbc: {  	s0 =	sadd.s32 $0x8F2B, s0  }
0xbd: {  	[sflag:s0] =	ssyncadd.remote.s32 $0x1  }
0xbe: {  	_ =	sfence.sel $0xFFFF  }
0xbf: {  	[dreg:$0x0] =	wrdreg $0xFFFFFFFF;
	(pc) =	sbr.abs _section_cstart, $3  }
0xc0: {  	[dreg:$0x1] =	wrdreg $0xFFFFFFFF  }
0xc1: {  	_ =	task.clear_ibuf [dreg:s7], $0x2FFFF;
	_ =	strace $0x9FFFFFFF  }
0xc2: {  	(tm) =	ssettm $0x7FFFFFFF  }
0xc3: {  	_ =	shalt  }
tec
execute0_lowered:
.L_overlay_start_1:
0x0: {  	(tag) =	ssettag $0x1  }
0x1: {  	s0 =	rddreg [dreg:$0x0];
	s1 =	srdreg.scid  }
0x2: {  	[dreg:$0x3] =	wrdreg s0;
	s5 =	sand.u32 $0x1, s1;
	s0 =	stileid.u32  }
0x3: {  	s2 =	sor.u32 s0, s5  }
0x4: {  	p0 =	sne.s32 s2, $0x0  }
.Ltmp0:
0x5: {  	_ = 	snop;
	(pc) =	sbr.rel @p0 .LBB2_4-.Ltmp0, $3  }
0x6: {  	_ =	sdelay $0x1  }
0x7: {  	s4 =	rddreg [dreg:$0x1]  }
0x8: {  	s1 =	rddreg [dreg:$0x2];
	_ =	strace $0x80000047  }
0x9: {  	s6 =	rddreg [dreg:$0x3];
	s3 =	simm.s32 $0x0;
	s2 =	simm.s32 $0x1  }
0xa: {  	[tilespmem:s3], [sflag:$0x1] =	stream.linear.gather [hbm4b:s6+s3], $0x80, $0x38;
	[tilespmem:$0x100] =	vst v63  }
0xb: {  	_ =	swait.ge [sflag:s2], $0x80  }
0xc: {  	[sflag:s2] =	ssyncset.done $0x0  }
0xd: {  	[sflag:s2] =	ssyncadd.s32 $0xFFFFFF80  }
0xe: {  	v0 =	vld [tilespmem:$0x0]  }
0xf: {  	v1 =	vld [tilespmem:$0x10];
	_ =	sdelay $0x4  }
0x10: {  	v0 =	vmin.f32 v0, v1  }
0x11: {  	(v2sf) =	vpush v0, $0x2  }
0x12: {  	(v2sf) =	vpush v0, $0x0  }
0x13: {  	(v2sf) =	vpush v0, $0x1  }
0x14: {  	(v2sf) =	vpush v0, $0x3  }
0x15: {  	(v2sf) =	vpush v0, $0x4  }
0x16: {  	(v2sf) =	vpush v0, $0x5  }
0x17: {  	(v2sf) =	vpush v0, $0x6  }
0x18: {  	(v2sf) =	vpush v0, $0x7  }
0x19: {  	(v2sf) =	vpush v0, $0x8  }
0x1a: {  	(v2sf) =	vpush v0, $0x9  }
0x1b: {  	(v2sf) =	vpush v0, $0xA  }
0x1c: {  	(v2sf) =	vpush v0, $0xB  }
0x1d: {  	(v2sf) =	vpush v0, $0xC  }
0x1e: {  	(v2sf) =	vpush v0, $0xD  }
0x1f: {  	(v2sf) =	vpush v0, $0xE  }
0x20: {  	s15 =	spop (v2sf)  }
0x21: {  	(v2sf) =	vpush v0, $0xF;
	s7 =	spop (v2sf)  }
0x22: {  	s8 =	spop (v2sf)  }
0x23: {  	s7 =	smin.f32 s7, s8;
	s16 =	spop (v2sf)  }
0x24: {  	s6 =	smin.f32 s7, s15;
	s17 =	spop (v2sf)  }
0x25: {  	s6 =	smin.f32 s6, s16;
	s18 =	spop (v2sf)  }
0x26: {  	s6 =	smin.f32 s6, s17;
	s19 =	spop (v2sf)  }
0x27: {  	s6 =	smin.f32 s6, s18;
	s20 =	spop (v2sf)  }
0x28: {  	s6 =	smin.f32 s6, s19;
	s21 =	spop (v2sf)  }
0x29: {  	s6 =	smin.f32 s6, s20;
	s22 =	spop (v2sf)  }
0x2a: {  	s6 =	smin.f32 s6, s21;
	s23 =	spop (v2sf)  }
0x2b: {  	s5 =	ssub.s32 $0x2, s5;
	s6 =	smin.f32 s6, s22;
	s24 =	spop (v2sf)  }
0x2c: {  	s29 =	sshrl.u32 s5, $0x1;
	s6 =	smin.f32 s6, s23;
	s25 =	spop (v2sf)  }
0x2d: {  	s30 =	ssub.s32 s5, s29;
	s6 =	smin.f32 s6, s24;
	s26 =	spop (v2sf)  }
0x2e: {  	p0 =	sne.s32 s30, $0x1;
	s6 =	smin.f32 s6, s25;
	s28 =	spop (v2sf)  }
.Ltmp1:
0x2f: {  	s6 =	smin.f32 s6, s26;
	(pc) =	sbr.rel @!p0 .LBB2_3-.Ltmp1, $4  }
0x30: {  	s9 =	spop (v2sf);
	s6 =	smin.f32 s6, s28  }
0x31: {  	s31 =	smin.f32 s6, s9  }
0x32: {  	v63 =	vmov s31  }
0x33: {  	s4 =	sadd.s32 $0x800, s4;
	s5 =	simm.s32 $0x80;
	s6 =	sadd.s32 $0xFFFFFFFF, s30;
	[tilespmem:$0x80] =	vst v63  }
.LBB2_2:
0x34: {  	[hbm4b:s4+s3] =	stream.linear.scatter [tilespmem:s5], [sflag:$0x1], $0x80, $0x38;
	[tilespmem:$0x100] =	vst v63  }
0x35: {  	_ =	swait.ge [sflag:s2], $0x80  }
0x36: {  	[sflag:s2] =	ssyncset.done $0x0  }
0x37: {  	s7 =	rddreg [dreg:$0x3];
	[sflag:s2] =	ssyncadd.s32 $0xFFFFFF80  }
0x38: {  	[tilespmem:s3], [sflag:$0x1] =	stream.linear.gather [hbm4b:s7+s3], $0x80, $0x38;
	[tilespmem:$0x100] =	vst v63  }
0x39: {  	_ =	swait.ge [sflag:s2], $0x80  }
0x3a: {  	[sflag:s2] =	ssyncset.done $0x0  }
0x3b: {  	[sflag:s2] =	ssyncadd.s32 $0xFFFFFF80  }
0x3c: {  	v0 =	vld [tilespmem:$0x0]  }
0x3d: {  	v1 =	vld [tilespmem:$0x10];
	_ =	sdelay $0x4  }
0x3e: {  	v0 =	vmin.f32 v0, v1  }
0x3f: {  	(v2sf) =	vpush v0, $0x2  }
0x40: {  	(v2sf) =	vpush v0, $0x0  }
0x41: {  	(v2sf) =	vpush v0, $0x1  }
0x42: {  	(v2sf) =	vpush v0, $0x3  }
0x43: {  	(v2sf) =	vpush v0, $0x4  }
0x44: {  	(v2sf) =	vpush v0, $0x5  }
0x45: {  	(v2sf) =	vpush v0, $0x6  }
0x46: {  	(v2sf) =	vpush v0, $0x7  }
0x47: {  	(v2sf) =	vpush v0, $0x8  }
0x48: {  	(v2sf) =	vpush v0, $0x9  }
0x49: {  	(v2sf) =	vpush v0, $0xA  }
0x4a: {  	(v2sf) =	vpush v0, $0xB  }
0x4b: {  	(v2sf) =	vpush v0, $0xC  }
0x4c: {  	(v2sf) =	vpush v0, $0xD  }
0x4d: {  	(v2sf) =	vpush v0, $0xE  }
0x4e: {  	s17 =	spop (v2sf)  }
0x4f: {  	(v2sf) =	vpush v0, $0xF;
	s8 =	spop (v2sf)  }
0x50: {  	s9 =	spop (v2sf)  }
0x51: {  	s8 =	smin.f32 s8, s9;
	s18 =	spop (v2sf)  }
0x52: {  	s7 =	smin.f32 s8, s17;
	s19 =	spop (v2sf)  }
0x53: {  	s7 =	smin.f32 s7, s18;
	s20 =	spop (v2sf)  }
0x54: {  	s7 =	smin.f32 s7, s19;
	s21 =	spop (v2sf)  }
0x55: {  	s7 =	smin.f32 s7, s20;
	s22 =	spop (v2sf)  }
0x56: {  	s7 =	smin.f32 s7, s21;
	s23 =	spop (v2sf)  }
0x57: {  	s7 =	smin.f32 s7, s22;
	s24 =	spop (v2sf)  }
0x58: {  	s7 =	smin.f32 s7, s23;
	s25 =	spop (v2sf)  }
0x59: {  	s7 =	smin.f32 s7, s24;
	s26 =	spop (v2sf)  }
0x5a: {  	s7 =	smin.f32 s7, s25;
	s28 =	spop (v2sf)  }
0x5b: {  	s7 =	smin.f32 s7, s26;
	s29 =	spop (v2sf)  }
0x5c: {  	p0 =	sne.s32 s6, $0x1;
	s7 =	smin.f32 s7, s28;
	s30 =	spop (v2sf)  }
.Ltmp2:
0x5d: {  	s7 =	smin.f32 s7, s29;
	(pc) =	sbr.rel @p0 .LBB2_2-.Ltmp2, $4  }
0x5e: {  	s31 =	spop (v2sf);
	s7 =	smin.f32 s7, s30  }
0x5f: {  	s7 =	smin.f32 s7, s31  }
0x60: {  	v63 =	vmov s7  }
0x61: {  	s6 =	sadd.s32 $0xFFFFFFFF, s6;
	[tilespmem:$0x80] =	vst v63  }
.LBB2_3:
0x62: {  	[hbm4b:s4+s3] =	stream.linear.scatter [tilespmem:s5], [sflag:$0x1], $0x80, $0x38;
	[tilespmem:$0x100] =	vst v63  }
0x63: {  	_ =	swait.ge [sflag:s2], $0x80  }
0x64: {  	[sflag:s2] =	ssyncset.done $0x0  }
0x65: {  	[sflag:s2] =	ssyncadd.s32 $0xFFFFFF80  }
.LBB2_4:
0x66: {  	_ =	sfence.sel $0x180000  }
0x67: {  	[bflag:$0x0] =	sbarrier.arrive $0xFFFF  }
0x68: {  	p0 =	sne.s32 s0, $0x0;
	_ =	strace $0x90000047  }
0x69: {  	s0 =	sadd.s32 @!p0 $0x100000, s1;
	[bflag:$0x2] =	sbarrier.arrive $0xFFFF  }
0x6a: {  	[sflag:s0] =	ssyncadd.tile.s32 @!p0 $0x1;
	_ =	shalt  }
.Lfunc_end2:
_tile_overlayer_lowered:
.L_overlay_start_2:
0x6b: {  	(tag) =	ssettag $0x2  }
0x6c: {  	s0 =	rddreg [dreg:$0x0];
	s2 =	stileid.u32  }
0x6d: {  	s1 =	rddreg [dreg:$0x1];
	p0 =	sne.s32 s2, $0x0  }
0x6e: {  	s3 =	rddreg [dreg:$0x2];
	[bflag:$0x3] =	sbarrier.arrive $0xFFFF;
	s2 =	simm.s32 @!p0 $0x1C01  }
0x6f: {  	[timem:s3], [sflag:s2] =	dma.local @!p0 [hbm:s0], s1  }
0x70: {  	s0 =	simm.s32 @!p0 $0x1  }
0x71: {  	_ =	swait.ge @!p0 [sflag:s0], s1  }
0x72: {  	s1 =	ssub.s32 @!p0 $0x0, s1;
	[sflag:s0] =	ssyncset.done @!p0 $0x0  }
0x73: {  	[sflag:s0] =	ssyncadd.s32 @!p0 s1  }
0x74: {  	[bflag:$0x3] =	sbarrier.arrive $0xFFFF  }
0x75: {  	_ =	shalt  }

</sc_bundles>
